<compile_context>
chip_gen: v7x
topology: tpu7x:2x2x1
jax: 0.10.2.dev20260603
libtpu: 0.0.44.dev20260713+nightly
codegen_flags: <defaults>
</compile_context>

<pallas_src>
import functools

import jax
import jax.numpy as jnp
from jax import lax
from jax.experimental import pallas as pl
from jax.experimental.pallas import tpu as pltpu
from jax.experimental.pallas import tpu_sc as plsc

B, C, T = 16, 400, 2048
L = 16


def _presence_sc_body(gt_hbm, out_hbm, idx_v, mask_v):
    wid = lax.axis_index("s")

    src_off = pl.multiple_of(wid * T, 8)
    pltpu.sync_copy(gt_hbm.at[pl.ds(src_off, T)], idx_v)

    zeros = jnp.zeros((L,), jnp.float32)

    def zero_step(i, carry):
        mask_v[pl.ds(i * L, L)] = zeros
        return carry

    lax.fori_loop(0, C // L, zero_step, 0)

    ones = jnp.ones((L,), jnp.float32)

    def scatter_step(i, carry):
        idx = idx_v[pl.ds(i * L, L)]
        plsc.store_scatter(mask_v, [idx], ones)
        return carry

    lax.fori_loop(0, T // L, scatter_step, 0)

    dst_off = pl.multiple_of(wid * C, 8)
    pltpu.sync_copy(mask_v, out_hbm.at[pl.ds(dst_off, C)])


@functools.lru_cache(maxsize=1)
def _make_presence_sc():
    return pl.kernel(
        _presence_sc_body,
        mesh=plsc.VectorSubcoreMesh(
            core_axis_name="c", subcore_axis_name="s", num_cores=1
        ),
        out_type=jax.ShapeDtypeStruct((B * C,), jnp.float32),
        scratch_types=[
            pltpu.VMEM((T,), jnp.int32),
            pltpu.VMEM((C,), jnp.float32),
        ],
        compiler_params=pltpu.CompilerParams(needs_layout_passes=False),
    )


NWIN = 2
BB = 1


def _pmax_body(*refs):
    ins, outs = refs[:NWIN], refs[NWIN:]
    for i in range(NWIN):
        outs[i][0] = jnp.max(ins[i][...], axis=2)


def _pmax_tc(prediction):
    npb = B // (NWIN * BB)
    in_specs = [
        pl.BlockSpec((BB, C, T), (lambda b, i=i: (b + i * npb, 0, 0)))
        for i in range(NWIN)
    ]
    res = pl.pallas_call(
        _pmax_body,
        grid=(npb,),
        in_specs=in_specs,
        out_specs=[pl.BlockSpec((1, BB, C), lambda b: (b, 0, 0))] * NWIN,
        out_shape=[jax.ShapeDtypeStruct((npb, BB, C), jnp.float32)] * NWIN,
        compiler_params=pltpu.CompilerParams(
            dimension_semantics=("arbitrary",)
        ),
    )(*([prediction] * NWIN))
    return res


def _loss_body(*refs):
    pmaxes, pres_ref, out_ref = refs[:NWIN], refs[NWIN], refs[NWIN + 1]
    npw = B // NWIN
    total = jnp.float32(0.0)
    for i in range(NWIN):
        pm = pmaxes[i][...].reshape(npw, C)
        pr = pres_ref[i]
        contrib = jnp.where(pr > 0.5, jnp.log(pm), jnp.log(1.0 - pm))
        total = total - jnp.sum(contrib)
    out_ref[0, 0] = total


def _loss_tc(pmaxes, presence):
    return pl.pallas_call(
        _loss_body,
        in_specs=[pl.BlockSpec(memory_space=pltpu.VMEM)] * (NWIN + 1),
        out_specs=pl.BlockSpec(memory_space=pltpu.SMEM),
        out_shape=jax.ShapeDtypeStruct((1, 1), jnp.float32),
    )(*pmaxes, presence)


def kernel(ground_truth, prediction):
    pmaxes = _pmax_tc(prediction)
    presence = _make_presence_sc()(ground_truth.reshape(-1))
    loss = _loss_tc(pmaxes, presence.reshape(NWIN, B // NWIN, C))
    return loss[0, 0]

# --- scband reference (transcript-rebuilt; emitter-appended) ---
"""Pipeline reference for scband-video-loss-44126493999108 (READ-ONLY COPY).

The authoritative reference and input builder live on the scoring server;
editing this copy changes nothing except your own understanding.
"""

import jax, jax.numpy as jnp
import numpy as np


def setup_inputs(seed: int = 0) -> dict:
    key = jax.random.key(seed)
    k1, k2 = jax.random.split(key)
    ground_truth = jax.random.randint(k1, (16, 2048), 0, 400, dtype=jnp.int32)
    # probabilities strictly inside (0, 1) so log terms are finite
    prediction = jax.random.uniform(k2, (16, 400, 2048), dtype=jnp.float32,
                                    minval=1e-4, maxval=1.0 - 1e-4)
    return {"ground_truth": ground_truth, "prediction": prediction}


def reference(ground_truth, prediction):
    # Faithful translation of the intended torch semantics:
    # per batch element b:
    #   present   = unique(ground_truth[b])                 (set of classes present)
    #   pmax[c]   = max_t prediction[b, c, t]
    #   loss_b    = -sum_{c in present} log(pmax[c])
    #               -sum_{c not in present} log(1 - pmax[c])
    # total loss = sum_b loss_b
    B, C, T = prediction.shape
    # max over time dimension for every (batch, class)
    pmax = jnp.max(prediction, axis=2)  # [B, C]
    # presence mask via scatter-set (equivalent to torch.unique membership test)
    def presence(gt_row):
        return jnp.zeros((C,), dtype=bool).at[gt_row].set(True)
    present = jax.vmap(presence)(ground_truth)  # [B, C] bool
    loss_present = -jnp.sum(jnp.where(present, jnp.log(pmax), 0.0))
    loss_absent = -jnp.sum(jnp.where(present, 0.0, jnp.log(1.0 - pmax)))
    return loss_present + loss_absent

if __name__ == "__main__":
    import jax
    _d = setup_inputs()
    print(jax.jit(kernel)(*tuple(_d.values())))

</pallas_src>

<mosaic_0001>
#map = affine_map<(d0, d1) -> (0)>
module attributes {stable_mosaic.version = 14 : i64} {
  func.func @_presence_sc_body(%arg0: i32, %arg1: i32, %arg2: memref<32768xi32, #tpu.memory_space<hbm>>, %arg3: memref<6400xf32, #tpu.memory_space<hbm>>, %arg4: memref<2048xi32, #tpu.memory_space<vmem>>, %arg5: memref<400xf32, #tpu.memory_space<vmem>>) attributes {dimension_semantics = [#tpu.dimension_semantics<core_parallel>, #tpu.dimension_semantics<subcore_parallel>], iteration_bounds = array<i64: 1, 16>, scalar_prefetch = 0 : i64, scratch_operands = 2 : i64, tpu.core_type = #tpu.core_type<sc_vector_subcore>, window_params = [{transform_indices = #map}, {transform_indices = #map}]} {
    %mul3A = arith.constant 2048 : i32
    %mul3A_0 = arith.muli %arg1, %mul3A : i32
    %multiple_of3A = tpu.assume_multiple %mul3A_0, 8 : i32
    "tpu.region"() ({
      %run_scoped3A = tpu.sem_alloc : memref<!tpu.dma_semaphore, #tpu.memory_space<semaphore_mem>>
      %dma_start3A = tpu.memref_slice %arg2[%multiple_of3A] : memref<32768xi32, #tpu.memory_space<hbm>> -> memref<2048xi32, #tpu.memory_space<hbm>>
      %dma_start3A_18 = tpu.memref_slice %arg2[%multiple_of3A] : memref<32768xi32, #tpu.memory_space<hbm>> -> memref<2048xi32, #tpu.memory_space<hbm>>
      tpu.enqueue_dma source(%dma_start3A_18 : memref<2048xi32, #tpu.memory_space<hbm>>) target(%arg4 : memref<2048xi32, #tpu.memory_space<vmem>>) target_semaphore(%run_scoped3A : memref<!tpu.dma_semaphore, #tpu.memory_space<semaphore_mem>>)
      %dma_wait3A = tpu.memref_slice %arg2[%multiple_of3A] : memref<32768xi32, #tpu.memory_space<hbm>> -> memref<2048xi32, #tpu.memory_space<hbm>>
      %dma_wait3A_19 = tpu.memref_slice %arg2[%multiple_of3A] : memref<32768xi32, #tpu.memory_space<hbm>> -> memref<2048xi32, #tpu.memory_space<hbm>>
      tpu.wait_dma2 semaphore(%run_scoped3A : memref<!tpu.dma_semaphore, #tpu.memory_space<semaphore_mem>>) src(%dma_wait3A_19 : memref<2048xi32, #tpu.memory_space<hbm>>) dst(%arg4 : memref<2048xi32, #tpu.memory_space<vmem>>)
      tpu.yield
    }) : () -> ()
    %broadcast_in_dim3A = arith.constant 0.000000e+00 : f32
    %broadcast_in_dim3A_1 = vector.broadcast %broadcast_in_dim3A : f32 to vector<16xf32>
    %scan3A = arith.constant 0 : i32
    %scan3A_2 = arith.constant 0 : i32
    %scan3A_3 = arith.constant 25 : i32
    %scan3A_4 = arith.addi %scan3A_2, %scan3A_3 : i32
    %scan3A_5 = arith.constant 1 : i32
    scf.for %scan3A_18 = %scan3A_2 to %scan3A_4 step %scan3A_5  : i32 {
      %mul3A_19 = arith.constant 16 : i32
      %mul3A_20 = arith.muli %scan3A_18, %mul3A_19 : i32
      %swap3A = arith.index_cast %mul3A_20 : i32 to index
      %swap3A_21 = tpu.vector_load %arg5[%swap3A] {strides = array<i32>} : memref<400xf32, #tpu.memory_space<vmem>>, vector<16xf32>,
      tpu.vector_store %arg5[%swap3A], %broadcast_in_dim3A_1 {strides = array<i32>} : memref<400xf32, #tpu.memory_space<vmem>>, vector<16xf32>,
    }
    %scan3A_6 = arith.constant 25 : i32
    %broadcast_in_dim3A_7 = arith.constant 1.000000e+00 : f32
    %broadcast_in_dim3A_8 = vector.broadcast %broadcast_in_dim3A_7 : f32 to vector<16xf32>
    %scan3A_9 = arith.constant 0 : i32
    %scan3A_10 = arith.constant 0 : i32
    %scan3A_11 = arith.constant 128 : i32
    %scan3A_12 = arith.addi %scan3A_10, %scan3A_11 : i32
    %scan3A_13 = arith.constant 1 : i32
    scf.for %scan3A_18 = %scan3A_10 to %scan3A_12 step %scan3A_13  : i32 {
      %mul3A_19 = arith.constant 16 : i32
      %mul3A_20 = arith.muli %scan3A_18, %mul3A_19 : i32
      %get3A = arith.index_cast %mul3A_20 : i32 to index
      %get3A_21 = tpu.vector_load %arg4[%get3A] {strides = array<i32>} : memref<2048xi32, #tpu.memory_space<vmem>>, vector<16xi32>,
      tpu.vector_store_idx %arg5[%get3A_21], %broadcast_in_dim3A_8 : memref<400xf32, #tpu.memory_space<vmem>>[vector<16xi32>], vector<16xf32>,
    }
    %scan3A_14 = arith.constant 128 : i32
    %mul3A_15 = arith.constant 400 : i32
    %mul3A_16 = arith.muli %arg1, %mul3A_15 : i32
    %multiple_of3A_17 = tpu.assume_multiple %mul3A_16, 8 : i32
    "tpu.region"() ({
      %run_scoped3A = tpu.sem_alloc : memref<!tpu.dma_semaphore, #tpu.memory_space<semaphore_mem>>
      %dma_start3A = tpu.memref_slice %arg3[%multiple_of3A_17] : memref<6400xf32, #tpu.memory_space<hbm>> -> memref<400xf32, #tpu.memory_space<hbm>>
      %dma_start3A_18 = tpu.memref_slice %arg3[%multiple_of3A_17] : memref<6400xf32, #tpu.memory_space<hbm>> -> memref<400xf32, #tpu.memory_space<hbm>>
      tpu.enqueue_dma source(%arg5 : memref<400xf32, #tpu.memory_space<vmem>>) target(%dma_start3A_18 : memref<400xf32, #tpu.memory_space<hbm>>) target_semaphore(%run_scoped3A : memref<!tpu.dma_semaphore, #tpu.memory_space<semaphore_mem>>)
      %dma_wait3A = tpu.memref_slice %arg3[%multiple_of3A_17] : memref<6400xf32, #tpu.memory_space<hbm>> -> memref<400xf32, #tpu.memory_space<hbm>>
      %dma_wait3A_19 = tpu.memref_slice %arg3[%multiple_of3A_17] : memref<6400xf32, #tpu.memory_space<hbm>> -> memref<400xf32, #tpu.memory_space<hbm>>
      tpu.wait_dma2 semaphore(%run_scoped3A : memref<!tpu.dma_semaphore, #tpu.memory_space<semaphore_mem>>) src(%arg5 : memref<400xf32, #tpu.memory_space<vmem>>) dst(%dma_wait3A_19 : memref<400xf32, #tpu.memory_space<hbm>>)
      tpu.yield
    }) : () -> ()
    return
  }
}

module attributes {stable_mosaic.version = 14 : i64} {
  func.func @_pmax_body(%arg0: i32, %arg1: memref<1x400x2048xf32, #tpu.memory_space<vmem>>, %arg2: memref<1x400x2048xf32, #tpu.memory_space<vmem>>, %arg3: memref<1x1x400xf32, #tpu.memory_space<vmem>>, %arg4: memref<1x1x400xf32, #tpu.memory_space<vmem>>) attributes {dimension_semantics = [#tpu.dimension_semantics<arbitrary>], iteration_bounds = array<i64: 8>, scalar_prefetch = 0 : i64, scratch_operands = 0 : i64, tpu.core_type = #tpu.core_type<tc>, window_params = [{transform_indices = @transform_0, window_bounds = array<i64: 1, 400, 2048>}, {transform_indices = @transform_1, window_bounds = array<i64: 1, 400, 2048>}, {transform_indices = @transform_2, window_bounds = array<i64: 1, 1, 400>}, {transform_indices = @transform_3, window_bounds = array<i64: 1, 1, 400>}]} {
    %get3A = arith.constant 0 : index
    %get3A_0 = arith.constant 0 : index
    %get3A_1 = arith.constant 0 : index
    %get3A_2 = vector.load %arg1[%get3A, %get3A_0, %get3A_1] : memref<1x400x2048xf32, #tpu.memory_space<vmem>>, vector<1x400x2048xf32>
    %reduce_max3A = arith.constant dense<0xFF800000> : vector<1x400xf32>
    %reduce_max3A_3 = vector.multi_reduction <maximumf>, %get3A_2, %reduce_max3A [2] : vector<1x400x2048xf32> to vector<1x400xf32>
    %swap3A = arith.constant 0 : index
    %swap3A_4 = arith.constant 0 : index
    %swap3A_5 = arith.constant 0 : index
    %swap3A_6 = vector.load %arg3[%swap3A, %swap3A_4, %swap3A_5] : memref<1x1x400xf32, #tpu.memory_space<vmem>>, vector<1x1x400xf32>
    %swap3A_7 = vector.shape_cast %swap3A_6 : vector<1x1x400xf32> to vector<1x400xf32>
    %swap3A_8 = vector.shape_cast %reduce_max3A_3 : vector<1x400xf32> to vector<1x1x400xf32>
    tpu.vector_store %arg3[%swap3A, %swap3A_4, %swap3A_5], %swap3A_8 {strides = array<i32>} : memref<1x1x400xf32, #tpu.memory_space<vmem>>, vector<1x1x400xf32>,
    %get3A_9 = arith.constant 0 : index
    %get3A_10 = arith.constant 0 : index
    %get3A_11 = arith.constant 0 : index
    %get3A_12 = vector.load %arg2[%get3A_9, %get3A_10, %get3A_11] : memref<1x400x2048xf32, #tpu.memory_space<vmem>>, vector<1x400x2048xf32>
    %reduce_max3A_13 = arith.constant dense<0xFF800000> : vector<1x400xf32>
    %reduce_max3A_14 = vector.multi_reduction <maximumf>, %get3A_12, %reduce_max3A_13 [2] : vector<1x400x2048xf32> to vector<1x400xf32>
    %swap3A_15 = arith.constant 0 : index
    %swap3A_16 = arith.constant 0 : index
    %swap3A_17 = arith.constant 0 : index
    %swap3A_18 = vector.load %arg4[%swap3A_15, %swap3A_16, %swap3A_17] : memref<1x1x400xf32, #tpu.memory_space<vmem>>, vector<1x1x400xf32>
    %swap3A_19 = vector.shape_cast %swap3A_18 : vector<1x1x400xf32> to vector<1x400xf32>
    %swap3A_20 = vector.shape_cast %reduce_max3A_14 : vector<1x400xf32> to vector<1x1x400xf32>
    tpu.vector_store %arg4[%swap3A_15, %swap3A_16, %swap3A_17], %swap3A_20 {strides = array<i32>} : memref<1x1x400xf32, #tpu.memory_space<vmem>>, vector<1x1x400xf32>,
    return
  }
  func.func @transform_0(%arg0: i32) -> (i32, i32, i32) {
    %add3A = arith.constant 0 : i32
    %add3A_0 = arith.addi %arg0, %add3A : i32
    %c0_i32 = arith.constant 0 : i32
    %c0_i32_1 = arith.constant 0 : i32
    %c0_i32_2 = arith.constant 0 : i32
    return %add3A_0, %c0_i32, %c0_i32_1 : i32, i32, i32
  }
  func.func @transform_1(%arg0: i32) -> (i32, i32, i32) {
    %add3A = arith.constant 8 : i32
    %add3A_0 = arith.addi %arg0, %add3A : i32
    %c0_i32 = arith.constant 0 : i32
    %c0_i32_1 = arith.constant 0 : i32
    %c0_i32_2 = arith.constant 0 : i32
    return %add3A_0, %c0_i32, %c0_i32_1 : i32, i32, i32
  }
  func.func @transform_2(%arg0: i32) -> (i32, i32, i32) {
    %c0_i32 = arith.constant 0 : i32
    %c0_i32_0 = arith.constant 0 : i32
    %c0_i32_1 = arith.constant 0 : i32
    return %arg0, %c0_i32, %c0_i32_0 : i32, i32, i32
  }
  func.func @transform_3(%arg0: i32) -> (i32, i32, i32) {
    %c0_i32 = arith.constant 0 : i32
    %c0_i32_0 = arith.constant 0 : i32
    %c0_i32_1 = arith.constant 0 : i32
    return %arg0, %c0_i32, %c0_i32_0 : i32, i32, i32
  }
}

module attributes {stable_mosaic.version = 14 : i64} {
  func.func @_loss_body(%arg0: memref<8x1x400xf32, #tpu.memory_space<vmem>>, %arg1: memref<8x1x400xf32, #tpu.memory_space<vmem>>, %arg2: memref<2x8x400xf32, #tpu.memory_space<vmem>>, %arg3: memref<1x1xf32, #tpu.memory_space<smem>>) attributes {dimension_semantics = [], scalar_prefetch = 0 : i64, scratch_operands = 0 : i64, tpu.core_type = #tpu.core_type<tc>} {
    %get3A = arith.constant 0 : index
    %get3A_0 = arith.constant 0 : index
    %get3A_1 = arith.constant 0 : index
    %get3A_2 = vector.load %arg0[%get3A, %get3A_0, %get3A_1] : memref<8x1x400xf32, #tpu.memory_space<vmem>>, vector<8x1x400xf32>
    %reshape3A = vector.shape_cast %get3A_2 : vector<8x1x400xf32> to vector<8x400xf32>
    %get3A_3 = arith.constant 0 : index
    %get3A_4 = arith.constant 0 : index
    %get3A_5 = arith.constant 0 : index
    %get3A_6 = vector.load %arg2[%get3A_3, %get3A_4, %get3A_5] : memref<2x8x400xf32, #tpu.memory_space<vmem>>, vector<1x8x400xf32>
    %get3A_7 = vector.shape_cast %get3A_6 : vector<1x8x400xf32> to vector<8x400xf32>
    %gt3A = arith.constant 5.000000e-01 : f32
    %gt3A_8 = vector.broadcast %gt3A : f32 to vector<8x400xf32>
    %gt3A_9 = arith.cmpf ogt, %get3A_7, %gt3A_8 : vector<8x400xf32>
    %log3A = math.log %reshape3A : vector<8x400xf32>
    %sub3A = arith.constant 1.000000e+00 : f32
    %sub3A_10 = vector.broadcast %sub3A : f32 to vector<8x400xf32>
    %sub3A_11 = arith.subf %sub3A_10, %reshape3A : vector<8x400xf32>
    %log3A_12 = math.log %sub3A_11 : vector<8x400xf32>
    %select_n3A = arith.select %gt3A_9, %log3A, %log3A_12 : vector<8x400xi1>, vector<8x400xf32>
    %reduce_sum3A = vector.shape_cast %select_n3A : vector<8x400xf32> to vector<1x8x400xf32>
    %reduce_sum3A_13 = arith.constant dense<0.000000e+00> : vector<1xf32>
    %reduce_sum3A_14 = vector.multi_reduction <add>, %reduce_sum3A, %reduce_sum3A_13 [1, 2] : vector<1x8x400xf32> to vector<1xf32>
    %reduce_sum3A_15 = vector.shape_cast %reduce_sum3A_14 : vector<1xf32> to vector<1x1x1xf32>
    %reduce_sum3A_16 = vector.extract %reduce_sum3A_15[0, 0, 0] : f32 from vector<1x1x1xf32>
    %sub3A_17 = arith.constant 0.000000e+00 : f32
    %sub3A_18 = arith.subf %sub3A_17, %reduce_sum3A_16 : f32
    %get3A_19 = arith.constant 0 : index
    %get3A_20 = arith.constant 0 : index
    %get3A_21 = arith.constant 0 : index
    %get3A_22 = vector.load %arg1[%get3A_19, %get3A_20, %get3A_21] : memref<8x1x400xf32, #tpu.memory_space<vmem>>, vector<8x1x400xf32>
    %reshape3A_23 = vector.shape_cast %get3A_22 : vector<8x1x400xf32> to vector<8x400xf32>
    %get3A_24 = arith.constant 1 : index
    %get3A_25 = arith.constant 0 : index
    %get3A_26 = arith.constant 0 : index
    %get3A_27 = vector.load %arg2[%get3A_24, %get3A_25, %get3A_26] : memref<2x8x400xf32, #tpu.memory_space<vmem>>, vector<1x8x400xf32>
    %get3A_28 = vector.shape_cast %get3A_27 : vector<1x8x400xf32> to vector<8x400xf32>
    %gt3A_29 = arith.constant 5.000000e-01 : f32
    %gt3A_30 = vector.broadcast %gt3A_29 : f32 to vector<8x400xf32>
    %gt3A_31 = arith.cmpf ogt, %get3A_28, %gt3A_30 : vector<8x400xf32>
    %log3A_32 = math.log %reshape3A_23 : vector<8x400xf32>
    %sub3A_33 = arith.constant 1.000000e+00 : f32
    %sub3A_34 = vector.broadcast %sub3A_33 : f32 to vector<8x400xf32>
    %sub3A_35 = arith.subf %sub3A_34, %reshape3A_23 : vector<8x400xf32>
    %log3A_36 = math.log %sub3A_35 : vector<8x400xf32>
    %select_n3A_37 = arith.select %gt3A_31, %log3A_32, %log3A_36 : vector<8x400xi1>, vector<8x400xf32>
    %reduce_sum3A_38 = vector.shape_cast %select_n3A_37 : vector<8x400xf32> to vector<1x8x400xf32>
    %reduce_sum3A_39 = arith.constant dense<0.000000e+00> : vector<1xf32>
    %reduce_sum3A_40 = vector.multi_reduction <add>, %reduce_sum3A_38, %reduce_sum3A_39 [1, 2] : vector<1x8x400xf32> to vector<1xf32>
    %reduce_sum3A_41 = vector.shape_cast %reduce_sum3A_40 : vector<1xf32> to vector<1x1x1xf32>
    %reduce_sum3A_42 = vector.extract %reduce_sum3A_41[0, 0, 0] : f32 from vector<1x1x1xf32>
    %sub3A_43 = arith.subf %sub3A_18, %reduce_sum3A_42 : f32
    %swap3A = arith.constant 0 : index
    %swap3A_44 = arith.constant 0 : index
    %swap3A_45 = memref.load %arg3[%swap3A, %swap3A_44] : memref<1x1xf32, #tpu.memory_space<smem>>
    memref.store %sub3A_43, %arg3[%swap3A, %swap3A_44] : memref<1x1xf32, #tpu.memory_space<smem>>
    return
  }
}

</mosaic_0001>

<sc_bundles>
// kernel: kernel.5.cloned.1.call-start
scs
__scs_entry_jumppad:
0x0: {  	(pc) =	sbr.rel $0x88, $3  }
0x1: {  	(tag) =	ssettag $0x0;
	lr =	simm.s32 $0x1  }
0x2: {  	[smem:$0x3F9F] =	sst lr;
	_ =	strace $0xD0000000  }
0x3: {  	_ = 	snop  }
0x4: {  	_ = 	snop  }
0x5: {  	_ = 	snop  }
0x6: {  	_ = 	snop  }
0x7: {  	_ = 	snop  }
__scs_overlays_trampoline_lowered:
0x8: {  	[smem:$0x3FAE] =	sst s0  }
0x9: {  	[smem:$0x3FAF] =	sst s1  }
0xa: {  	[smem:$0x3FB0] =	sst s2  }
0xb: {  	[smem:$0x3FB1] =	sst s3  }
0xc: {  	[smem:$0x3FB2] =	sst s4  }
0xd: {  	[smem:$0x3FB3] =	sst s5  }
0xe: {  	[smem:$0x3FB4] =	sst s6  }
0xf: {  	[smem:$0x3FB5] =	sst s7  }
0x10: {  	[smem:$0x3FB6] =	sst s8  }
0x11: {  	[smem:$0x3FB7] =	sst s9;
	s0 =	simm.s32 @!p0 $0x0  }
0x12: {  	s1 =	sld [smem:$0x3F9D];
	s0 =	simm.s32 @p0 $0x1  }
0x13: {  	[smem:$0x3FB8] =	sst s0;
	s0 =	simm.s32 @!p1 $0x0  }
0x14: {  	s2 =	sld [smem:$0x3F9C];
	s0 =	simm.s32 @p1 $0x1  }
0x15: {  	[smem:$0x3FB9] =	sst s0;
	s0 =	simm.s32 @!p2 $0x0  }
0x16: {  	s3 =	sld [smem:$0x3FDB];
	s0 =	simm.s32 @p2 $0x1  }
0x17: {  	s4 =	simm.s32 $0x1BF5;
	[smem:$0x3FBB] =	sst s0  }
0x18: {  	s0 =	sld [smem:$0x3F9E];
	_ =	swait.ge [sflag:s4], $0x0  }
0x19: {  	s7 =	sld [smem:$0x3F9F]  }
0x1a: {  	s8 =	sadd.s32 $0xFFFFE003, lr  }
0x1b: {  	s9 =	sadd.s32 $0xFFFFFEF7, lr;
	s5 =	simm.s32 $0xFFFFFFFF;
	p2 =	slt.u32 s8, $0xFFFFF086  }
0x1c: {  	p1 =	slt.u32 s9, $0xF7A;
	s5 =	simm.s32 @!p2 $0x0  }
0x1d: {  	s5 =	simm.s32 @p1 $0x1;
	p0 =	seq.s32 s7, s2  }
0x1e: {  	s7 =	smul.u32 @!p0 $0xF7A, s2;
	p2 =	seq.s32 @!p0 s5, $0x0  }
0x1f: {  	s9 =	smul.u32 $0xF7A, s1;
	s8 =	simm.s32 @!p0 $0x1BF5;
	p2 =	por !p2, p0  }
0x20: {  	[sflag:s8] =	ssyncset.s32 @!p0 $0xFFFFF086;
	s6 =	sadd.s32 @!p0 s3, s7;
	s7 =	simm.s32 @!p0 $0x108  }
0x21: {  	s3 =	sadd.s32 s3, s9;
	s6 =	sadd.s32 @!p0 $0x88, s6;
	s7 =	simm.s32 @p2 $0x1082  }
0x22: {  	[simem:s7], [sflag:s8] =	dma.local @!p0 [hbm:s6], $0xF7A  }
0x23: {  	s9 =	sor.u32 $0xD0000000, s2;
	s6 =	simm.s32 $0x108;
	_ =	swait.ge @!p0 [sflag:s8], $0x0  }
0x24: {  	s3 =	sadd.s32 $0x88, s3;
	s6 =	simm.s32 @!p1 $0x1082;
	[sflag:s4] =	ssyncset.s32 $0xFFFFF086  }
0x25: {  	[simem:s6], [sflag:s4] =	dma.local [hbm:s3], $0xF7A  }
0x26: {  	[smem:$0x3F9F] =	sst s1;
	(tag) =	ssettag s2;
	_ =	strace s9  }
0x27: {  	s1 =	sld [smem:$0x3FAF]  }
0x28: {  	s2 =	sld [smem:$0x3FB0]  }
0x29: {  	s4 =	sld [smem:$0x3FB2]  }
0x2a: {  	p0 =	seq.s32 s5, $0x0;
	s5 =	sld [smem:$0x3FB3]  }
0x2b: {  	s6 =	sld [smem:$0x3FB4]  }
0x2c: {  	s7 =	sld [smem:$0x3FB5]  }
0x2d: {  	s3 =	simm.s32 $0x108;
	s8 =	sld [smem:$0x3FB6]  }
0x2e: {  	s3 =	simm.s32 @!p0 $0x1082;
	s9 =	sld [smem:$0x3FB7]  }
0x2f: {  	lr =	sadd.s32 s0, s3;
	s0 =	sld [smem:$0x3FAE]  }
0x30: {  	s3 =	sld [smem:$0x3FB1]  }
0x31: {  	[smem:$0x3FBA] =	sst s10  }
0x32: {  	s10 =	sld [smem:$0x3FB8];
	_ =	sdelay $0x3  }
0x33: {  	p0 =	seq.s32 s10, $0x1;
	s10 =	sld [smem:$0x3FBA];
	_ =	sdelay $0x3  }
0x34: {  	[smem:$0x3FBA] =	sst s10  }
0x35: {  	s10 =	sld [smem:$0x3FB9];
	_ =	sdelay $0x3  }
0x36: {  	p1 =	seq.s32 s10, $0x1;
	s10 =	sld [smem:$0x3FBA];
	_ =	sdelay $0x3  }
0x37: {  	[smem:$0x3FBA] =	sst s10  }
0x38: {  	s10 =	sld [smem:$0x3FBB]  }
0x39: {  	_ = 	snop;
	(pc) =	sbr.ind lr, $3  }
0x3a: {  	_ = 	snop  }
0x3b: {  	_ = 	snop  }
0x3c: {  	p2 =	seq.s32 s10, $0x1;
	s10 =	sld [smem:$0x3FBA]  }
0x3d: {  	_ =	shalt  }
0x3e: {  	_ =	shalt  }
0x3f: {  	_ =	shalt  }
0x40: {  	_ =	shalt  }
0x41: {  	_ =	shalt  }
0x42: {  	_ =	shalt  }
0x43: {  	_ =	shalt  }
0x44: {  	_ =	shalt  }
0x45: {  	_ =	shalt  }
0x46: {  	_ =	shalt  }
0x47: {  	_ =	shalt  }
0x48: {  	_ =	shalt  }
0x49: {  	_ =	shalt  }
0x4a: {  	_ =	shalt  }
0x4b: {  	_ =	shalt  }
0x4c: {  	_ =	shalt  }
0x4d: {  	_ =	shalt  }
0x4e: {  	_ =	shalt  }
0x4f: {  	_ =	shalt  }
0x50: {  	_ =	shalt  }
0x51: {  	_ =	shalt  }
0x52: {  	_ =	shalt  }
0x53: {  	_ =	shalt  }
0x54: {  	_ =	shalt  }
0x55: {  	_ =	shalt  }
0x56: {  	_ =	shalt  }
0x57: {  	_ =	shalt  }
0x58: {  	_ =	shalt  }
0x59: {  	_ =	shalt  }
0x5a: {  	_ =	shalt  }
0x5b: {  	_ =	shalt  }
0x5c: {  	_ =	shalt  }
0x5d: {  	_ =	shalt  }
0x5e: {  	_ =	shalt  }
0x5f: {  	_ =	shalt  }
0x60: {  	_ =	shalt  }
0x61: {  	_ =	shalt  }
0x62: {  	_ =	shalt  }
0x63: {  	_ =	shalt  }
0x64: {  	_ =	shalt  }
0x65: {  	_ =	shalt  }
0x66: {  	_ =	shalt  }
0x67: {  	_ =	shalt  }
0x68: {  	_ =	shalt  }
0x69: {  	_ =	shalt  }
0x6a: {  	_ =	shalt  }
0x6b: {  	_ =	shalt  }
0x6c: {  	_ =	shalt  }
0x6d: {  	_ =	shalt  }
0x6e: {  	_ =	shalt  }
0x6f: {  	_ =	shalt  }
0x70: {  	_ =	shalt  }
0x71: {  	_ =	shalt  }
0x72: {  	_ =	shalt  }
0x73: {  	_ =	shalt  }
0x74: {  	_ =	shalt  }
0x75: {  	_ =	shalt  }
0x76: {  	_ =	shalt  }
0x77: {  	_ =	shalt  }
0x78: {  	_ =	shalt  }
0x79: {  	_ =	shalt  }
0x7a: {  	_ =	shalt  }
0x7b: {  	_ =	shalt  }
0x7c: {  	_ =	shalt  }
0x7d: {  	_ =	shalt  }
0x7e: {  	_ =	shalt  }
0x7f: {  	_ =	shalt  }
0x80: {  	_ =	shalt  }
0x81: {  	_ =	shalt  }
0x82: {  	_ =	shalt  }
0x83: {  	_ =	shalt  }
0x84: {  	_ =	shalt  }
0x85: {  	_ =	shalt  }
0x86: {  	_ =	shalt  }
0x87: {  	_ =	shalt  }
.Lfunc_end0:
.L_simem_size_0:
called_computation_lowered:
.L_overlay_start_0:
0x88: {  	s0 =	sld [smem:$0x3FD9]  }
0x89: {  	s1 =	sld [smem:$0x3FFE];
	_ =	sdelay $0x3  }
0x8a: {  	s0 =	sadd.s32 s1, s0  }
0x8b: {  	[smem:$0x3FC6] =	sst s0  }
0x8c: {  	_ = 	snop  }
0x8d: {  	(tm) =	ssettm $0x1  }
0x8e: {  	s15 =	sld [smem:$0x3FFB];
	_ =	sdelay $0x3  }
0x8f: {  	_ =	strace s15  }
0x90: {  	s0 =	sld [smem:$0x3FFC];
	_ =	sdelay $0x3  }
0x91: {  	_ =	strace s0  }
0x92: {  	s0 =	sld [smem:$0x3FFD];
	_ =	sdelay $0x3  }
0x93: {  	_ =	strace s0  }
0x94: {  	_ =	strace $0x8FFFFFFF  }
0x95: {  	s16 =	sld [smem:$0x3FDB];
	_ =	sdelay $0x1  }
0x96: {  	s17 =	simm.s32 $_scs_section_size  }
0x97: {  	s2 =	simm.s32 $_size__tile_overlayer_lowered;
	s3 =	simm.s32 $_tile_overlayer_lowered  }
0x98: {  	s20 =	simm.s32 $0x1BFF;
	s19 =	sshll.u32 s3, $0x1;
	s0 =	sadd.s32 s17, s16  }
0x99: {  	s4 =	simm.s32 $0x0;
	s18 =	sshll.u32 s2, $0x1;
	s2 =	sadd.s32 s19, s0  }
0x9a: {  	[timem:s4], [sflag:s20] =	dma.local [hbm:s2], s18  }
0x9b: {  	_ =	swait.ge [sflag:s20], s18  }
0x9c: {  	s1 =	ssub.s32 $0x0, s18;
	[sflag:s20] =	ssyncset.done $0x0  }
0x9d: {  	[sflag:s20] =	ssyncadd.s32 s1;
	_ =	sdelay $0x1  }
0x9e: {  	s21 =	simm.s32 $0x1B8B  }
0x9f: {  	_ =	swait.ge [sflag:s21], $0x1  }
0xa0: {  	[sflag:s21] =	ssyncset.done $0x0  }
0xa1: {  	s23 =	simm.s32 $0x1B8E;
	s22 =	sld [smem:$0x3FFE];
	[sflag:s21] =	ssyncadd.s32 $0xFFFFFFFF  }
0xa2: {  	s24 =	simm.s32 $execute0_lowered;
	[smem:$0x3FD2] =	sst s23  }
0xa3: {  	s2 =	sshll.u32 s24, $0x1;
	_ =	strace $0x80000046;
	[dreg:$0x1] =	wrdreg $0xFFFFFFFF  }
0xa4: {  	s25 =	simm.s32 $_size_execute0_lowered;
	s0 =	sadd.s32 s0, s2;
	[dreg:$0x0] =	wrdreg $0x0  }
0xa5: {  	s2 =	sshll.u32 s25, $0x1;
	[dreg:$0x2] =	wrdreg s0  }
0xa6: {  	[dreg:$0x3] =	wrdreg s2  }
0xa7: {  	[dreg:$0x4] =	wrdreg $0xC0  }
0xa8: {  	_ =	task [dreg:s4], $0x5FFFF  }
0xa9: {  	[dreg:$0x1] =	wrdreg $0xFFFFFFFF  }
0xaa: {  	[dreg:$0x0] =	wrdreg $0x60  }
0xab: {  	[dreg:$0x2] =	wrdreg s22  }
0xac: {  	[dreg:$0x3] =	wrdreg $0x9  }
0xad: {  	_ =	task.clear_ibuf [dreg:s4], $0x4FFFF;
	_ =	strace $0x90000046  }
0xae: {  	s26 =	simm.s32 $0x9;
	_ =	strace $0x80000048  }
0xaf: {  	_ =	swait.ge [sflag:s26], $0x1  }
0xb0: {  	[sflag:s26] =	ssyncadd.s32 $0xFFFFFFFF  }
0xb1: {  	_ =	strace $0x90000048  }
0xb2: {  	_ =	sfence  }
0xb3: {  	s28 =	sld [smem:$0x0];
	_ =	sdelay $0x1  }
0xb4: {  	s29 =	srdreg.scid  }
0xb5: {  	s30 =	sshll.u32 s29, $0xD;
	s31 =	sshrl.u32 s29, $0x2  }
0xb6: {  	s1 =	sand.u32 $0x1, s29;
	s2 =	sand.u32 $0x4000, s30;
	s0 =	sadd.s32 s31, s28  }
0xb7: {  	s1 =	sor.u32 s2, s1;
	s0 =	sshll.u32 s0, $0x11  }
0xb8: {  	s0 =	sor.u32 s0, s1  }
0xb9: {  	s0 =	sadd.s32 $0x8F2B, s0  }
0xba: {  	[sflag:s0] =	ssyncadd.remote.s32 $0x1  }
0xbb: {  	_ =	sfence.sel $0xFFFF  }
0xbc: {  	[dreg:$0x0] =	wrdreg $0xFFFFFFFF;
	(pc) =	sbr.abs _section_cstart, $3  }
0xbd: {  	[dreg:$0x1] =	wrdreg $0xFFFFFFFF  }
0xbe: {  	_ =	task.clear_ibuf [dreg:s4], $0x2FFFF;
	_ =	strace $0x9FFFFFFF  }
0xbf: {  	(tm) =	ssettm $0x7FFFFFFF  }
tec
execute0_lowered:
.L_overlay_start_1:
0x0: {  	(tag) =	ssettag $0x1  }
0x1: {  	s2 =	rddreg [dreg:$0x0];
	s1 =	stileid.u32  }
0x2: {  	s0 =	rddreg [dreg:$0x1];
	s3 =	simm.s32 $0x0;
	s4 =	sshll.u32 s1, $0x8  }
0x3: {  	[smem:$0x7FF] =	sst s3;
	s4 =	sadd.s32 s4, s2  }
0x4: {  	s31 =	simm.s32 $0x1;
	_ =	strace $0x80000047;
	s4 =	sadd.s32 $0x600, s4  }
0x5: {  	[tilespmem:s3], [sflag:$0x1] =	stream.linear.gather [hbm4b:s4+s3], $0x800, $0x38;
	[tilespmem:$0xA00] =	vst v63  }
0x6: {  	_ =	swait.ge [sflag:s31], $0x800  }
0x7: {  	[sflag:s31] =	ssyncset.done $0x0  }
0x8: {  	v0 =	vimm.f32 $0.0e+00;
	[sflag:s31] =	ssyncadd.s32 $0xFFFFF800  }
0x9: {  	[tilespmem:$0x800] =	vst v0  }
0xa: {  	[tilespmem:$0x810] =	vst v0  }
0xb: {  	[tilespmem:$0x820] =	vst v0  }
0xc: {  	[tilespmem:$0x830] =	vst v0  }
0xd: {  	[tilespmem:$0x840] =	vst v0  }
0xe: {  	[tilespmem:$0x850] =	vst v0  }
0xf: {  	[tilespmem:$0x860] =	vst v0  }
0x10: {  	[tilespmem:$0x870] =	vst v0  }
0x11: {  	[tilespmem:$0x880] =	vst v0  }
0x12: {  	[tilespmem:$0x890] =	vst v0  }
0x13: {  	[tilespmem:$0x8A0] =	vst v0  }
0x14: {  	[tilespmem:$0x8B0] =	vst v0  }
0x15: {  	[tilespmem:$0x8C0] =	vst v0  }
0x16: {  	[tilespmem:$0x8D0] =	vst v0  }
0x17: {  	[tilespmem:$0x8E0] =	vst v0  }
0x18: {  	[tilespmem:$0x8F0] =	vst v0  }
0x19: {  	[tilespmem:$0x900] =	vst v0  }
0x1a: {  	[tilespmem:$0x910] =	vst v0  }
0x1b: {  	[tilespmem:$0x920] =	vst v0  }
0x1c: {  	[tilespmem:$0x930] =	vst v0  }
0x1d: {  	[tilespmem:$0x940] =	vst v0  }
0x1e: {  	[tilespmem:$0x950] =	vst v0  }
0x1f: {  	[tilespmem:$0x960] =	vst v0  }
0x20: {  	s5 =	simm.s32 $0x0;
	[tilespmem:$0x970] =	vst v0  }
0x21: {  	s2 =	sadd.s32 $0x1600, s2;
	s3 =	simm.s32 $0x800;
	s4 =	simm.s32 $0x40;
	[tilespmem:$0x980] =	vst v0;
	v0 =	vimm.f32 $1.000000000e+00  }
.LBB2_1:
0x22: {  	p0 =	sne.s32 s4, $0x1FC0;
	v1 =	vld [tilespmem:s5+$0x0];
	_ =	sdelay $0x3  }
.Ltmp0:
0x23: {  	(pc) =	sbr.rel @p0 .LBB2_1-.Ltmp0, $2  }
0x24: {  	_ =	sdelay $0x2  }
0x25: {  	s5 =	sshra.s32 s4, $0x2;
	s4 =	sadd.s32 $0x40, s4;
	[tilespmem:v1+s3+$0x0] =	vst.idx.msk $0xffff, v0  }
0x26: {  	v1 =	vld [tilespmem:s5+$0x0];
	_ =	sdelay $0x5  }
0x27: {  	s4 =	smul.u32 $0x32, s1  }
0x28: {  	s29 =	simm.s32 $0x0  }
0x29: {  	s30 =	simm.s32 $0x800;
	s31 =	simm.s32 $0x1;
	s2 =	sadd.s32 s2, s4;
	[tilespmem:v1+s3+$0x0] =	vst.idx.msk $0xffff, v0  }
0x2a: {  	[hbm4b:s2+s29] =	stream.linear.scatter [tilespmem:s30], [sflag:$0x1], $0x190, $0x38;
	[tilespmem:$0xA00] =	vst v63  }
0x2b: {  	_ =	swait.ge [sflag:s31], $0x190  }
0x2c: {  	[sflag:s31] =	ssyncset.done $0x0  }
0x2d: {  	[sflag:s31] =	ssyncadd.s32 $0xFFFFFE70  }
0x2e: {  	_ =	sfence.sel $0x180000  }
0x2f: {  	[bflag:$0x0] =	sbarrier.arrive $0xFFFF  }
0x30: {  	p0 =	sne.s32 s1, $0x0;
	_ =	strace $0x90000047  }
0x31: {  	s0 =	sadd.s32 @!p0 $0x100000, s0;
	[bflag:$0x2] =	sbarrier.arrive $0xFFFF  }
0x32: {  	[sflag:s0] =	ssyncadd.tile.s32 @!p0 $0x1;
	_ =	shalt  }
.Lfunc_end2:
_tile_overlayer_lowered:
.L_overlay_start_2:
0x33: {  	(tag) =	ssettag $0x2  }
0x34: {  	s0 =	rddreg [dreg:$0x0];
	s2 =	stileid.u32  }
0x35: {  	s1 =	rddreg [dreg:$0x1];
	p0 =	sne.s32 s2, $0x0  }
0x36: {  	s3 =	rddreg [dreg:$0x2];
	[bflag:$0x3] =	sbarrier.arrive $0xFFFF;
	s2 =	simm.s32 @!p0 $0x1C01  }
0x37: {  	[timem:s3], [sflag:s2] =	dma.local @!p0 [hbm:s0], s1  }
0x38: {  	s0 =	simm.s32 @!p0 $0x1  }
0x39: {  	_ =	swait.ge @!p0 [sflag:s0], s1  }
0x3a: {  	s1 =	ssub.s32 @!p0 $0x0, s1;
	[sflag:s0] =	ssyncset.done @!p0 $0x0  }
0x3b: {  	[sflag:s0] =	ssyncadd.s32 @!p0 s1  }
0x3c: {  	[bflag:$0x3] =	sbarrier.arrive $0xFFFF  }
0x3d: {  	_ =	shalt  }

</sc_bundles>
